<compile_context>
chip_gen: v7x
topology: tpu7x:2x2x1
jax: 0.10.2.dev20260603
libtpu: 0.0.44.dev20260713+nightly
codegen_flags: <defaults>
</compile_context>

<pallas_src>
import jax
import jax.numpy as jnp
from jax import lax
from jax.experimental import pallas as pl
from jax.experimental.pallas import tpu as pltpu
from jax.experimental.pallas import tpu_sc as plsc

EMB = 128
NC = 2
NS = 16
NW = NC * NS
SPAN = 31250
G = 48
NG = 651
NB = 4
IDX_MAX = 31256
VPAD = 1008
NG_UP = ((NG + NB - 1) // NB) * NB


def _emb_body(z_hbm, tab_hbm, out_hbm, idx_v, bufs, tbuf, stab, gsems, wsems):
    w = lax.axis_index("s") * NC + lax.axis_index("c")

    @pl.when(lax.axis_index("s") == 0)
    def _():
        pltpu.sync_copy(tab_hbm, stab)

    plsc.subcore_barrier()
    ofs = lax.rem(w * SPAN, 8)
    base = pl.multiple_of(w * SPAN - ofs, 8)
    has_tail = lax.rem(w, 4) == 3

    pltpu.sync_copy(z_hbm.at[pl.ds(base, NG * G)], idx_v.at[pl.ds(0, NG * G)])

    @pl.when(has_tail)
    def _():
        pltpu.sync_copy(
            z_hbm.at[pl.ds(base + NG * G, 8)], idx_v.at[pl.ds(NG * G, 8)]
        )

    def idx_at(j):
        return idx_v.at[pl.ds(pl.multiple_of(j * G, 8), G)]

    def out_at(j):
        return out_hbm.at[pl.ds(pl.multiple_of(base + j * G, 8), G)]

    for b in range(NB - 1):
        pltpu.async_copy(stab.at[idx_at(b)], bufs[b], gsems[b])

    @pl.loop(0, NG_UP, step=NB)
    def _(j):
        for b in range(NB):
            jj = j + b
            k = jj + NB - 1

            @pl.when(jj < NG)
            def _():
                pltpu.make_async_copy(
                    stab.at[idx_at(jj)], bufs[b], gsems[b]
                ).wait()
                pltpu.async_copy(bufs[b], out_at(jj), wsems[b])

            bk = (b + NB - 1) % NB

            @pl.when(jnp.logical_and(jj >= 1, k < NG))
            def _():
                pltpu.make_async_copy(bufs[bk], out_at(jj - 1), wsems[bk]).wait()
                pltpu.async_copy(stab.at[idx_at(k)], bufs[bk], gsems[bk])

            @pl.when(jnp.logical_and(jj == 0, k < NG))
            def _():
                pltpu.async_copy(stab.at[idx_at(k)], bufs[bk], gsems[bk])

    for d in range(NB):
        jj = NG - NB + d
        pltpu.make_async_copy(bufs[jj % NB], out_at(jj), wsems[jj % NB]).wait()

    @pl.when(has_tail)
    def _():
        pltpu.async_copy(
            stab.at[idx_v.at[pl.ds(pl.multiple_of(NG * G, 8), 8)]],
            tbuf,
            gsems[0],
        ).wait()
        pltpu.async_copy(
            tbuf, out_hbm.at[pl.ds(pl.multiple_of(base + NG * G, 8), 8)], wsems[0]
        ).wait()


@jax.jit
def kernel(Z, table):
    n = Z.shape[0]
    mesh = plsc.VectorSubcoreMesh(core_axis_name="c", subcore_axis_name="s")
    run = pl.kernel(
        _emb_body,
        out_type=jax.ShapeDtypeStruct((n, EMB), jnp.float32),
        mesh=mesh,
        scratch_types=[
            pltpu.VMEM((IDX_MAX,), jnp.int32),
            tuple(pltpu.VMEM((G, EMB), jnp.float32) for _ in range(NB)),
            pltpu.VMEM((8, EMB), jnp.float32),
            pltpu.VMEM_SHARED((VPAD, EMB), jnp.float32),
            tuple(pltpu.SemaphoreType.DMA for _ in range(NB)),
            tuple(pltpu.SemaphoreType.DMA for _ in range(NB)),
        ],
    )
    tab_p = jnp.zeros((VPAD, EMB), jnp.float32).at[: table.shape[0]].set(table)
    return run(Z.astype(jnp.int32), tab_p)

# --- scband reference (transcript-rebuilt; emitter-appended) ---
"""Pipeline reference for scband-atom-embedding-35682588295308 (READ-ONLY COPY).

The authoritative reference and input builder live on the scoring server;
editing this copy changes nothing except your own understanding.
"""

import jax, jax.numpy as jnp
import numpy as np

EMB_SIZE = 128
NUM_ELEMENTS = 1000
N_ATOMS = 1000000

def setup_inputs(seed: int = 0) -> dict:
    key = jax.random.key(seed)
    k_z, k_w = jax.random.split(key)
    Z = jax.random.randint(k_z, (N_ATOMS,), 0, NUM_ELEMENTS + 1, dtype=jnp.int64 if jax.config.jax_enable_x64 else jnp.int32)
    # torch.nn.init.uniform_(weight, a=-sqrt(3), b=sqrt(3))
    table = jax.random.uniform(k_w, (NUM_ELEMENTS + 1, EMB_SIZE), dtype=jnp.float32,
                               minval=-np.sqrt(3), maxval=np.sqrt(3))
    return {"Z": Z, "table": table}

def reference(Z, table):
    # Embedding lookup: h[i] = table[Z[i]]
    h = jnp.take(table, Z, axis=0)
    return h

if __name__ == "__main__":
    import jax
    _d = setup_inputs()
    print(jax.jit(kernel)(*tuple(_d.values())))

</pallas_src>

<mosaic_0001>
#map = affine_map<(d0, d1) -> (0)>
#map1 = affine_map<(d0, d1) -> (0, 0)>
module attributes {stable_mosaic.version = 14 : i64} {
  func.func @_emb_body(%arg0: i32, %arg1: i32, %arg2: memref<1000000xi32, #tpu.memory_space<hbm>>, %arg3: memref<1008x128xf32, #tpu.memory_space<hbm>>, %arg4: memref<1000000x128xf32, #tpu.memory_space<hbm>>, %arg5: memref<31256xi32, #tpu.memory_space<vmem>>, %arg6: memref<48x128xf32, #tpu.memory_space<vmem>>, %arg7: memref<48x128xf32, #tpu.memory_space<vmem>>, %arg8: memref<48x128xf32, #tpu.memory_space<vmem>>, %arg9: memref<48x128xf32, #tpu.memory_space<vmem>>, %arg10: memref<8x128xf32, #tpu.memory_space<vmem>>, %arg11: memref<1008x128xf32, #tpu.memory_space<vmem_shared>>, %arg12: memref<!tpu.dma_semaphore, #tpu.memory_space<semaphore_mem>>, %arg13: memref<!tpu.dma_semaphore, #tpu.memory_space<semaphore_mem>>, %arg14: memref<!tpu.dma_semaphore, #tpu.memory_space<semaphore_mem>>, %arg15: memref<!tpu.dma_semaphore, #tpu.memory_space<semaphore_mem>>, %arg16: memref<!tpu.dma_semaphore, #tpu.memory_space<semaphore_mem>>, %arg17: memref<!tpu.dma_semaphore, #tpu.memory_space<semaphore_mem>>, %arg18: memref<!tpu.dma_semaphore, #tpu.memory_space<semaphore_mem>>, %arg19: memref<!tpu.dma_semaphore, #tpu.memory_space<semaphore_mem>>) attributes {dimension_semantics = [#tpu.dimension_semantics<core_parallel>, #tpu.dimension_semantics<subcore_parallel>], iteration_bounds = array<i64: 2, 16>, scalar_prefetch = 0 : i64, scratch_operands = 15 : i64, tpu.core_type = #tpu.core_type<sc_vector_subcore>, window_params = [{transform_indices = #map}, {transform_indices = #map1}, {transform_indices = #map1}]} {
    %mul3A = arith.constant 2 : i32
    %mul3A_0 = arith.muli %arg1, %mul3A : i32
    %add3A = arith.addi %mul3A_0, %arg0 : i32
    %eq3A = arith.constant 0 : i32
    %eq3A_1 = arith.cmpi eq, %arg1, %eq3A : i32
    %convert_element_type3A = arith.extui %eq3A_1 : i1 to i32
    %cond3A = arith.constant 0 : i32
    %cond3A_2 = arith.cmpi ne, %convert_element_type3A, %cond3A : i32
    scf.if %cond3A_2 {
      "tpu.region"() ({
        %run_scoped3A = tpu.sem_alloc : memref<!tpu.dma_semaphore, #tpu.memory_space<semaphore_mem>>
        tpu.enqueue_dma source(%arg3 : memref<1008x128xf32, #tpu.memory_space<hbm>>) target(%arg11 : memref<1008x128xf32, #tpu.memory_space<vmem_shared>>) target_semaphore(%run_scoped3A : memref<!tpu.dma_semaphore, #tpu.memory_space<semaphore_mem>>)
        tpu.wait_dma2 semaphore(%run_scoped3A : memref<!tpu.dma_semaphore, #tpu.memory_space<semaphore_mem>>) src(%arg3 : memref<1008x128xf32, #tpu.memory_space<hbm>>) dst(%arg11 : memref<1008x128xf32, #tpu.memory_space<vmem_shared>>)
        tpu.yield
      }) : () -> ()
    } else {
    }
    %barrier3A = arith.constant 0 : index
    tpu.barrier barrier_id(%barrier3A)
    %mul3A_3 = arith.constant 31250 : i32
    %mul3A_4 = arith.muli %add3A, %mul3A_3 : i32
    %rem3A = arith.constant 8 : i32
    %rem3A_5 = arith.remsi %mul3A_4, %rem3A : i32
    %mul3A_6 = arith.constant 31250 : i32
    %mul3A_7 = arith.muli %add3A, %mul3A_6 : i32
    %sub3A = arith.subi %mul3A_7, %rem3A_5 : i32
    %multiple_of3A = tpu.assume_multiple %sub3A, 8 : i32
    %rem3A_8 = arith.constant 4 : i32
    %rem3A_9 = arith.remsi %add3A, %rem3A_8 : i32
    %eq3A_10 = arith.constant 3 : i32
    %eq3A_11 = arith.cmpi eq, %rem3A_9, %eq3A_10 : i32
    "tpu.region"() ({
      %run_scoped3A = tpu.sem_alloc : memref<!tpu.dma_semaphore, #tpu.memory_space<semaphore_mem>>
      %dma_start3A_66 = arith.constant 0 : i32
      %dma_start3A_67 = tpu.memref_slice %arg5[%dma_start3A_66] : memref<31256xi32, #tpu.memory_space<vmem>> -> memref<31248xi32, #tpu.memory_space<vmem>>
      %dma_start3A_68 = tpu.memref_slice %arg2[%multiple_of3A] : memref<1000000xi32, #tpu.memory_space<hbm>> -> memref<31248xi32, #tpu.memory_space<hbm>>
      %dma_start3A_69 = arith.constant 0 : i32
      %dma_start3A_70 = tpu.memref_slice %arg5[%dma_start3A_69] : memref<31256xi32, #tpu.memory_space<vmem>> -> memref<31248xi32, #tpu.memory_space<vmem>>
      %dma_start3A_71 = tpu.memref_slice %arg2[%multiple_of3A] : memref<1000000xi32, #tpu.memory_space<hbm>> -> memref<31248xi32, #tpu.memory_space<hbm>>
      tpu.enqueue_dma source(%dma_start3A_71 : memref<31248xi32, #tpu.memory_space<hbm>>) target(%dma_start3A_70 : memref<31248xi32, #tpu.memory_space<vmem>>) target_semaphore(%run_scoped3A : memref<!tpu.dma_semaphore, #tpu.memory_space<semaphore_mem>>)
      %dma_wait3A_72 = arith.constant 0 : i32
      %dma_wait3A_73 = tpu.memref_slice %arg5[%dma_wait3A_72] : memref<31256xi32, #tpu.memory_space<vmem>> -> memref<31248xi32, #tpu.memory_space<vmem>>
      %dma_wait3A_74 = tpu.memref_slice %arg2[%multiple_of3A] : memref<1000000xi32, #tpu.memory_space<hbm>> -> memref<31248xi32, #tpu.memory_space<hbm>>
      %dma_wait3A_75 = arith.constant 0 : i32
      %dma_wait3A_76 = tpu.memref_slice %arg5[%dma_wait3A_75] : memref<31256xi32, #tpu.memory_space<vmem>> -> memref<31248xi32, #tpu.memory_space<vmem>>
      %dma_wait3A_77 = tpu.memref_slice %arg2[%multiple_of3A] : memref<1000000xi32, #tpu.memory_space<hbm>> -> memref<31248xi32, #tpu.memory_space<hbm>>
      tpu.wait_dma2 semaphore(%run_scoped3A : memref<!tpu.dma_semaphore, #tpu.memory_space<semaphore_mem>>) src(%dma_wait3A_77 : memref<31248xi32, #tpu.memory_space<hbm>>) dst(%dma_wait3A_76 : memref<31248xi32, #tpu.memory_space<vmem>>)
      tpu.yield
    }) : () -> ()
    %convert_element_type3A_12 = arith.extui %eq3A_11 : i1 to i32
    %cond3A_13 = arith.constant 0 : i32
    %cond3A_14 = arith.cmpi ne, %convert_element_type3A_12, %cond3A_13 : i32
    scf.if %cond3A_14 {
      %add3A_66 = arith.constant 31248 : i32
      %add3A_67 = arith.addi %multiple_of3A, %add3A_66 : i32
      "tpu.region"() ({
        %run_scoped3A = tpu.sem_alloc : memref<!tpu.dma_semaphore, #tpu.memory_space<semaphore_mem>>
        %dma_start3A_68 = arith.constant 31248 : i32
        %dma_start3A_69 = tpu.memref_slice %arg5[%dma_start3A_68] : memref<31256xi32, #tpu.memory_space<vmem>> -> memref<8xi32, #tpu.memory_space<vmem>>
        %dma_start3A_70 = tpu.memref_slice %arg2[%add3A_67] : memref<1000000xi32, #tpu.memory_space<hbm>> -> memref<8xi32, #tpu.memory_space<hbm>>
        %dma_start3A_71 = arith.constant 31248 : i32
        %dma_start3A_72 = tpu.memref_slice %arg5[%dma_start3A_71] : memref<31256xi32, #tpu.memory_space<vmem>> -> memref<8xi32, #tpu.memory_space<vmem>>
        %dma_start3A_73 = tpu.memref_slice %arg2[%add3A_67] : memref<1000000xi32, #tpu.memory_space<hbm>> -> memref<8xi32, #tpu.memory_space<hbm>>
        tpu.enqueue_dma source(%dma_start3A_73 : memref<8xi32, #tpu.memory_space<hbm>>) target(%dma_start3A_72 : memref<8xi32, #tpu.memory_space<vmem>>) target_semaphore(%run_scoped3A : memref<!tpu.dma_semaphore, #tpu.memory_space<semaphore_mem>>)
        %dma_wait3A_74 = arith.constant 31248 : i32
        %dma_wait3A_75 = tpu.memref_slice %arg5[%dma_wait3A_74] : memref<31256xi32, #tpu.memory_space<vmem>> -> memref<8xi32, #tpu.memory_space<vmem>>
        %dma_wait3A_76 = tpu.memref_slice %arg2[%add3A_67] : memref<1000000xi32, #tpu.memory_space<hbm>> -> memref<8xi32, #tpu.memory_space<hbm>>
        %dma_wait3A_77 = arith.constant 31248 : i32
        %dma_wait3A_78 = tpu.memref_slice %arg5[%dma_wait3A_77] : memref<31256xi32, #tpu.memory_space<vmem>> -> memref<8xi32, #tpu.memory_space<vmem>>
        %dma_wait3A_79 = tpu.memref_slice %arg2[%add3A_67] : memref<1000000xi32, #tpu.memory_space<hbm>> -> memref<8xi32, #tpu.memory_space<hbm>>
        tpu.wait_dma2 semaphore(%run_scoped3A : memref<!tpu.dma_semaphore, #tpu.memory_space<semaphore_mem>>) src(%dma_wait3A_79 : memref<8xi32, #tpu.memory_space<hbm>>) dst(%dma_wait3A_78 : memref<8xi32, #tpu.memory_space<vmem>>)
        tpu.yield
      }) : () -> ()
    } else {
    }
    %multiple_of3A_15 = arith.constant 0 : i32
    %multiple_of3A_16 = tpu.assume_multiple %multiple_of3A_15, 8 : i32
    %dma_start3A = tpu.memref_slice %arg5[%multiple_of3A_16] : memref<31256xi32, #tpu.memory_space<vmem>> -> memref<48xi32, #tpu.memory_space<vmem>>
    %dma_start3A_17 = arith.constant 0 : i32
    %dma_start3A_18 = arith.constant 0 : i32
    %dma_start3A_19 = tpu.memref_slice %arg11[%dma_start3A_17, %dma_start3A_18] : memref<1008x128xf32, #tpu.memory_space<vmem_shared>> -> memref<1008x128xf32, #tpu.memory_space<vmem_shared>>
    tpu.enqueue_indirect_dma source(%dma_start3A_19 : memref<1008x128xf32, #tpu.memory_space<vmem_shared>>) target(%arg6 : memref<48x128xf32, #tpu.memory_space<vmem>>) offsets(%dma_start3A : memref<48xi32, #tpu.memory_space<vmem>>) semaphore(%arg12 : memref<!tpu.dma_semaphore, #tpu.memory_space<semaphore_mem>>)
    %multiple_of3A_20 = arith.constant 48 : i32
    %multiple_of3A_21 = tpu.assume_multiple %multiple_of3A_20, 8 : i32
    %dma_start3A_22 = tpu.memref_slice %arg5[%multiple_of3A_21] : memref<31256xi32, #tpu.memory_space<vmem>> -> memref<48xi32, #tpu.memory_space<vmem>>
    %dma_start3A_23 = arith.constant 0 : i32
    %dma_start3A_24 = arith.constant 0 : i32
    %dma_start3A_25 = tpu.memref_slice %arg11[%dma_start3A_23, %dma_start3A_24] : memref<1008x128xf32, #tpu.memory_space<vmem_shared>> -> memref<1008x128xf32, #tpu.memory_space<vmem_shared>>
    tpu.enqueue_indirect_dma source(%dma_start3A_25 : memref<1008x128xf32, #tpu.memory_space<vmem_shared>>) target(%arg7 : memref<48x128xf32, #tpu.memory_space<vmem>>) offsets(%dma_start3A_22 : memref<48xi32, #tpu.memory_space<vmem>>) semaphore(%arg13 : memref<!tpu.dma_semaphore, #tpu.memory_space<semaphore_mem>>)
    %multiple_of3A_26 = arith.constant 96 : i32
    %multiple_of3A_27 = tpu.assume_multiple %multiple_of3A_26, 8 : i32
    %dma_start3A_28 = tpu.memref_slice %arg5[%multiple_of3A_27] : memref<31256xi32, #tpu.memory_space<vmem>> -> memref<48xi32, #tpu.memory_space<vmem>>
    %dma_start3A_29 = arith.constant 0 : i32
    %dma_start3A_30 = arith.constant 0 : i32
    %dma_start3A_31 = tpu.memref_slice %arg11[%dma_start3A_29, %dma_start3A_30] : memref<1008x128xf32, #tpu.memory_space<vmem_shared>> -> memref<1008x128xf32, #tpu.memory_space<vmem_shared>>
    tpu.enqueue_indirect_dma source(%dma_start3A_31 : memref<1008x128xf32, #tpu.memory_space<vmem_shared>>) target(%arg8 : memref<48x128xf32, #tpu.memory_space<vmem>>) offsets(%dma_start3A_28 : memref<48xi32, #tpu.memory_space<vmem>>) semaphore(%arg14 : memref<!tpu.dma_semaphore, #tpu.memory_space<semaphore_mem>>)
    %scan3A = arith.constant 0 : i32
    %scan3A_32 = arith.constant 163 : i32
    %scan3A_33 = arith.addi %scan3A, %scan3A_32 : i32
    %scan3A_34 = arith.constant 1 : i32
    scf.for %scan3A_66 = %scan3A to %scan3A_33 step %scan3A_34  : i32 {
      %mul3A_67 = arith.constant 4 : i32
      %mul3A_68 = arith.muli %scan3A_66, %mul3A_67 : i32
      %add3A_69 = arith.constant 0 : i32
      %add3A_70 = arith.addi %add3A_69, %mul3A_68 : i32
      %add3A_71 = arith.constant 0 : i32
      %add3A_72 = arith.addi %add3A_70, %add3A_71 : i32
      %add3A_73 = arith.constant 4 : i32
      %add3A_74 = arith.addi %add3A_72, %add3A_73 : i32
      %sub3A_75 = arith.constant 1 : i32
      %sub3A_76 = arith.subi %add3A_74, %sub3A_75 : i32
      %lt3A = arith.constant 651 : i32
      %lt3A_77 = arith.cmpi slt, %add3A_72, %lt3A : i32
      %convert_element_type3A_78 = arith.extui %lt3A_77 : i1 to i32
      %cond3A_79 = arith.constant 0 : i32
      %cond3A_80 = arith.cmpi ne, %convert_element_type3A_78, %cond3A_79 : i32
      scf.if %cond3A_80 {
        %mul3A_176 = arith.constant 48 : i32
        %mul3A_177 = arith.muli %add3A_72, %mul3A_176 : i32
        %multiple_of3A_178 = tpu.assume_multiple %mul3A_177, 8 : i32
        %dma_wait3A_179 = tpu.memref_slice %arg5[%multiple_of3A_178] : memref<31256xi32, #tpu.memory_space<vmem>> -> memref<48xi32, #tpu.memory_space<vmem>>
        %dma_wait3A_180 = arith.constant 0 : i32
        %dma_wait3A_181 = arith.constant 0 : i32
        %dma_wait3A_182 = tpu.memref_slice %arg11[%dma_wait3A_180, %dma_wait3A_181] : memref<1008x128xf32, #tpu.memory_space<vmem_shared>> -> memref<1008x128xf32, #tpu.memory_space<vmem_shared>>
        tpu.wait_indirect_dma semaphore(%arg12 : memref<!tpu.dma_semaphore, #tpu.memory_space<semaphore_mem>>) src(%dma_wait3A_182 : memref<1008x128xf32, #tpu.memory_space<vmem_shared>>) dst(%arg6 : memref<48x128xf32, #tpu.memory_space<vmem>>)
        %mul3A_183 = arith.constant 48 : i32
        %mul3A_184 = arith.muli %add3A_72, %mul3A_183 : i32
        %add3A_185 = arith.addi %multiple_of3A, %mul3A_184 : i32
        %multiple_of3A_186 = tpu.assume_multiple %add3A_185, 8 : i32
        %dma_start3A_187 = arith.constant 0 : i32
        %dma_start3A_188 = tpu.memref_slice %arg4[%multiple_of3A_186, %dma_start3A_187] : memref<1000000x128xf32, #tpu.memory_space<hbm>> -> memref<48x128xf32, #tpu.memory_space<hbm>>
        %dma_start3A_189 = arith.constant 0 : i32
        %dma_start3A_190 = tpu.memref_slice %arg4[%multiple_of3A_186, %dma_start3A_189] : memref<1000000x128xf32, #tpu.memory_space<hbm>> -> memref<48x128xf32, #tpu.memory_space<hbm>>
        tpu.enqueue_dma source(%arg6 : memref<48x128xf32, #tpu.memory_space<vmem>>) target(%dma_start3A_190 : memref<48x128xf32, #tpu.memory_space<hbm>>) target_semaphore(%arg16 : memref<!tpu.dma_semaphore, #tpu.memory_space<semaphore_mem>>)
      } else {
      }
      %ge3A = arith.constant 1 : i32
      %ge3A_81 = arith.cmpi sge, %add3A_72, %ge3A : i32
      %lt3A_82 = arith.constant 651 : i32
      %lt3A_83 = arith.cmpi slt, %sub3A_76, %lt3A_82 : i32
      %and3A = arith.andi %ge3A_81, %lt3A_83 : i1
      %convert_element_type3A_84 = arith.extui %and3A : i1 to i32
      %cond3A_85 = arith.constant 0 : i32
      %cond3A_86 = arith.cmpi ne, %convert_element_type3A_84, %cond3A_85 : i32
      scf.if %cond3A_86 {
        %sub3A_176 = arith.constant 1 : i32
        %sub3A_177 = arith.subi %add3A_72, %sub3A_176 : i32
        %mul3A_178 = arith.constant 48 : i32
        %mul3A_179 = arith.muli %sub3A_177, %mul3A_178 : i32
        %add3A_180 = arith.addi %multiple_of3A, %mul3A_179 : i32
        %multiple_of3A_181 = tpu.assume_multiple %add3A_180, 8 : i32
        %dma_wait3A_182 = arith.constant 0 : i32
        %dma_wait3A_183 = tpu.memref_slice %arg4[%multiple_of3A_181, %dma_wait3A_182] : memref<1000000x128xf32, #tpu.memory_space<hbm>> -> memref<48x128xf32, #tpu.memory_space<hbm>>
        %dma_wait3A_184 = arith.constant 0 : i32
        %dma_wait3A_185 = tpu.memref_slice %arg4[%multiple_of3A_181, %dma_wait3A_184] : memref<1000000x128xf32, #tpu.memory_space<hbm>> -> memref<48x128xf32, #tpu.memory_space<hbm>>
        tpu.wait_dma2 semaphore(%arg19 : memref<!tpu.dma_semaphore, #tpu.memory_space<semaphore_mem>>) src(%arg9 : memref<48x128xf32, #tpu.memory_space<vmem>>) dst(%dma_wait3A_185 : memref<48x128xf32, #tpu.memory_space<hbm>>)
        %mul3A_186 = arith.constant 48 : i32
        %mul3A_187 = arith.muli %sub3A_76, %mul3A_186 : i32
        %multiple_of3A_188 = tpu.assume_multiple %mul3A_187, 8 : i32
        %dma_start3A_189 = tpu.memref_slice %arg5[%multiple_of3A_188] : memref<31256xi32, #tpu.memory_space<vmem>> -> memref<48xi32, #tpu.memory_space<vmem>>
        %dma_start3A_190 = arith.constant 0 : i32
        %dma_start3A_191 = arith.constant 0 : i32
        %dma_start3A_192 = tpu.memref_slice %arg11[%dma_start3A_190, %dma_start3A_191] : memref<1008x128xf32, #tpu.memory_space<vmem_shared>> -> memref<1008x128xf32, #tpu.memory_space<vmem_shared>>
        tpu.enqueue_indirect_dma source(%dma_start3A_192 : memref<1008x128xf32, #tpu.memory_space<vmem_shared>>) target(%arg9 : memref<48x128xf32, #tpu.memory_space<vmem>>) offsets(%dma_start3A_189 : memref<48xi32, #tpu.memory_space<vmem>>) semaphore(%arg15 : memref<!tpu.dma_semaphore, #tpu.memory_space<semaphore_mem>>)
      } else {
      }
      %eq3A_87 = arith.constant 0 : i32
      %eq3A_88 = arith.cmpi eq, %add3A_72, %eq3A_87 : i32
      %lt3A_89 = arith.constant 651 : i32
      %lt3A_90 = arith.cmpi slt, %sub3A_76, %lt3A_89 : i32
      %and3A_91 = arith.andi %eq3A_88, %lt3A_90 : i1
      %convert_element_type3A_92 = arith.extui %and3A_91 : i1 to i32
      %cond3A_93 = arith.constant 0 : i32
      %cond3A_94 = arith.cmpi ne, %convert_element_type3A_92, %cond3A_93 : i32
      scf.if %cond3A_94 {
        %mul3A_176 = arith.constant 48 : i32
        %mul3A_177 = arith.muli %sub3A_76, %mul3A_176 : i32
        %multiple_of3A_178 = tpu.assume_multiple %mul3A_177, 8 : i32
        %dma_start3A_179 = tpu.memref_slice %arg5[%multiple_of3A_178] : memref<31256xi32, #tpu.memory_space<vmem>> -> memref<48xi32, #tpu.memory_space<vmem>>
        %dma_start3A_180 = arith.constant 0 : i32
        %dma_start3A_181 = arith.constant 0 : i32
        %dma_start3A_182 = tpu.memref_slice %arg11[%dma_start3A_180, %dma_start3A_181] : memref<1008x128xf32, #tpu.memory_space<vmem_shared>> -> memref<1008x128xf32, #tpu.memory_space<vmem_shared>>
        tpu.enqueue_indirect_dma source(%dma_start3A_182 : memref<1008x128xf32, #tpu.memory_space<vmem_shared>>) target(%arg9 : memref<48x128xf32, #tpu.memory_space<vmem>>) offsets(%dma_start3A_179 : memref<48xi32, #tpu.memory_space<vmem>>) semaphore(%arg15 : memref<!tpu.dma_semaphore, #tpu.memory_space<semaphore_mem>>)
      } else {
      }
      %add3A_95 = arith.constant 1 : i32
      %add3A_96 = arith.addi %add3A_70, %add3A_95 : i32
      %add3A_97 = arith.constant 4 : i32
      %add3A_98 = arith.addi %add3A_96, %add3A_97 : i32
      %sub3A_99 = arith.constant 1 : i32
      %sub3A_100 = arith.subi %add3A_98, %sub3A_99 : i32
      %lt3A_101 = arith.constant 651 : i32
      %lt3A_102 = arith.cmpi slt, %add3A_96, %lt3A_101 : i32
      %convert_element_type3A_103 = arith.extui %lt3A_102 : i1 to i32
      %cond3A_104 = arith.constant 0 : i32
      %cond3A_105 = arith.cmpi ne, %convert_element_type3A_103, %cond3A_104 : i32
      scf.if %cond3A_105 {
        %mul3A_176 = arith.constant 48 : i32
        %mul3A_177 = arith.muli %add3A_96, %mul3A_176 : i32
        %multiple_of3A_178 = tpu.assume_multiple %mul3A_177, 8 : i32
        %dma_wait3A_179 = tpu.memref_slice %arg5[%multiple_of3A_178] : memref<31256xi32, #tpu.memory_space<vmem>> -> memref<48xi32, #tpu.memory_space<vmem>>
        %dma_wait3A_180 = arith.constant 0 : i32
        %dma_wait3A_181 = arith.constant 0 : i32
        %dma_wait3A_182 = tpu.memref_slice %arg11[%dma_wait3A_180, %dma_wait3A_181] : memref<1008x128xf32, #tpu.memory_space<vmem_shared>> -> memref<1008x128xf32, #tpu.memory_space<vmem_shared>>
        tpu.wait_indirect_dma semaphore(%arg13 : memref<!tpu.dma_semaphore, #tpu.memory_space<semaphore_mem>>) src(%dma_wait3A_182 : memref<1008x128xf32, #tpu.memory_space<vmem_shared>>) dst(%arg7 : memref<48x128xf32, #tpu.memory_space<vmem>>)
        %mul3A_183 = arith.constant 48 : i32
        %mul3A_184 = arith.muli %add3A_96, %mul3A_183 : i32
        %add3A_185 = arith.addi %multiple_of3A, %mul3A_184 : i32
        %multiple_of3A_186 = tpu.assume_multiple %add3A_185, 8 : i32
        %dma_start3A_187 = arith.constant 0 : i32
        %dma_start3A_188 = tpu.memref_slice %arg4[%multiple_of3A_186, %dma_start3A_187] : memref<1000000x128xf32, #tpu.memory_space<hbm>> -> memref<48x128xf32, #tpu.memory_space<hbm>>
        %dma_start3A_189 = arith.constant 0 : i32
        %dma_start3A_190 = tpu.memref_slice %arg4[%multiple_of3A_186, %dma_start3A_189] : memref<1000000x128xf32, #tpu.memory_space<hbm>> -> memref<48x128xf32, #tpu.memory_space<hbm>>
        tpu.enqueue_dma source(%arg7 : memref<48x128xf32, #tpu.memory_space<vmem>>) target(%dma_start3A_190 : memref<48x128xf32, #tpu.memory_space<hbm>>) target_semaphore(%arg17 : memref<!tpu.dma_semaphore, #tpu.memory_space<semaphore_mem>>)
      } else {
      }
      %ge3A_106 = arith.constant 1 : i32
      %ge3A_107 = arith.cmpi sge, %add3A_96, %ge3A_106 : i32
      %lt3A_108 = arith.constant 651 : i32
      %lt3A_109 = arith.cmpi slt, %sub3A_100, %lt3A_108 : i32
      %and3A_110 = arith.andi %ge3A_107, %lt3A_109 : i1
      %convert_element_type3A_111 = arith.extui %and3A_110 : i1 to i32
      %cond3A_112 = arith.constant 0 : i32
      %cond3A_113 = arith.cmpi ne, %convert_element_type3A_111, %cond3A_112 : i32
      scf.if %cond3A_113 {
        %sub3A_176 = arith.constant 1 : i32
        %sub3A_177 = arith.subi %add3A_96, %sub3A_176 : i32
        %mul3A_178 = arith.constant 48 : i32
        %mul3A_179 = arith.muli %sub3A_177, %mul3A_178 : i32
        %add3A_180 = arith.addi %multiple_of3A, %mul3A_179 : i32
        %multiple_of3A_181 = tpu.assume_multiple %add3A_180, 8 : i32
        %dma_wait3A_182 = arith.constant 0 : i32
        %dma_wait3A_183 = tpu.memref_slice %arg4[%multiple_of3A_181, %dma_wait3A_182] : memref<1000000x128xf32, #tpu.memory_space<hbm>> -> memref<48x128xf32, #tpu.memory_space<hbm>>
        %dma_wait3A_184 = arith.constant 0 : i32
        %dma_wait3A_185 = tpu.memref_slice %arg4[%multiple_of3A_181, %dma_wait3A_184] : memref<1000000x128xf32, #tpu.memory_space<hbm>> -> memref<48x128xf32, #tpu.memory_space<hbm>>
        tpu.wait_dma2 semaphore(%arg16 : memref<!tpu.dma_semaphore, #tpu.memory_space<semaphore_mem>>) src(%arg6 : memref<48x128xf32, #tpu.memory_space<vmem>>) dst(%dma_wait3A_185 : memref<48x128xf32, #tpu.memory_space<hbm>>)
        %mul3A_186 = arith.constant 48 : i32
        %mul3A_187 = arith.muli %sub3A_100, %mul3A_186 : i32
        %multiple_of3A_188 = tpu.assume_multiple %mul3A_187, 8 : i32
        %dma_start3A_189 = tpu.memref_slice %arg5[%multiple_of3A_188] : memref<31256xi32, #tpu.memory_space<vmem>> -> memref<48xi32, #tpu.memory_space<vmem>>
        %dma_start3A_190 = arith.constant 0 : i32
        %dma_start3A_191 = arith.constant 0 : i32
        %dma_start3A_192 = tpu.memref_slice %arg11[%dma_start3A_190, %dma_start3A_191] : memref<1008x128xf32, #tpu.memory_space<vmem_shared>> -> memref<1008x128xf32, #tpu.memory_space<vmem_shared>>
        tpu.enqueue_indirect_dma source(%dma_start3A_192 : memref<1008x128xf32, #tpu.memory_space<vmem_shared>>) target(%arg6 : memref<48x128xf32, #tpu.memory_space<vmem>>) offsets(%dma_start3A_189 : memref<48xi32, #tpu.memory_space<vmem>>) semaphore(%arg12 : memref<!tpu.dma_semaphore, #tpu.memory_space<semaphore_mem>>)
      } else {
      }
      %eq3A_114 = arith.constant 0 : i32
      %eq3A_115 = arith.cmpi eq, %add3A_96, %eq3A_114 : i32
      %lt3A_116 = arith.constant 651 : i32
      %lt3A_117 = arith.cmpi slt, %sub3A_100, %lt3A_116 : i32
      %and3A_118 = arith.andi %eq3A_115, %lt3A_117 : i1
      %convert_element_type3A_119 = arith.extui %and3A_118 : i1 to i32
      %cond3A_120 = arith.constant 0 : i32
      %cond3A_121 = arith.cmpi ne, %convert_element_type3A_119, %cond3A_120 : i32
      scf.if %cond3A_121 {
        %mul3A_176 = arith.constant 48 : i32
        %mul3A_177 = arith.muli %sub3A_100, %mul3A_176 : i32
        %multiple_of3A_178 = tpu.assume_multiple %mul3A_177, 8 : i32
        %dma_start3A_179 = tpu.memref_slice %arg5[%multiple_of3A_178] : memref<31256xi32, #tpu.memory_space<vmem>> -> memref<48xi32, #tpu.memory_space<vmem>>
        %dma_start3A_180 = arith.constant 0 : i32
        %dma_start3A_181 = arith.constant 0 : i32
        %dma_start3A_182 = tpu.memref_slice %arg11[%dma_start3A_180, %dma_start3A_181] : memref<1008x128xf32, #tpu.memory_space<vmem_shared>> -> memref<1008x128xf32, #tpu.memory_space<vmem_shared>>
        tpu.enqueue_indirect_dma source(%dma_start3A_182 : memref<1008x128xf32, #tpu.memory_space<vmem_shared>>) target(%arg6 : memref<48x128xf32, #tpu.memory_space<vmem>>) offsets(%dma_start3A_179 : memref<48xi32, #tpu.memory_space<vmem>>) semaphore(%arg12 : memref<!tpu.dma_semaphore, #tpu.memory_space<semaphore_mem>>)
      } else {
      }
      %add3A_122 = arith.constant 2 : i32
      %add3A_123 = arith.addi %add3A_70, %add3A_122 : i32
      %add3A_124 = arith.constant 4 : i32
      %add3A_125 = arith.addi %add3A_123, %add3A_124 : i32
      %sub3A_126 = arith.constant 1 : i32
      %sub3A_127 = arith.subi %add3A_125, %sub3A_126 : i32
      %lt3A_128 = arith.constant 651 : i32
      %lt3A_129 = arith.cmpi slt, %add3A_123, %lt3A_128 : i32
      %convert_element_type3A_130 = arith.extui %lt3A_129 : i1 to i32
      %cond3A_131 = arith.constant 0 : i32
      %cond3A_132 = arith.cmpi ne, %convert_element_type3A_130, %cond3A_131 : i32
      scf.if %cond3A_132 {
        %mul3A_176 = arith.constant 48 : i32
        %mul3A_177 = arith.muli %add3A_123, %mul3A_176 : i32
        %multiple_of3A_178 = tpu.assume_multiple %mul3A_177, 8 : i32
        %dma_wait3A_179 = tpu.memref_slice %arg5[%multiple_of3A_178] : memref<31256xi32, #tpu.memory_space<vmem>> -> memref<48xi32, #tpu.memory_space<vmem>>
        %dma_wait3A_180 = arith.constant 0 : i32
        %dma_wait3A_181 = arith.constant 0 : i32
        %dma_wait3A_182 = tpu.memref_slice %arg11[%dma_wait3A_180, %dma_wait3A_181] : memref<1008x128xf32, #tpu.memory_space<vmem_shared>> -> memref<1008x128xf32, #tpu.memory_space<vmem_shared>>
        tpu.wait_indirect_dma semaphore(%arg14 : memref<!tpu.dma_semaphore, #tpu.memory_space<semaphore_mem>>) src(%dma_wait3A_182 : memref<1008x128xf32, #tpu.memory_space<vmem_shared>>) dst(%arg8 : memref<48x128xf32, #tpu.memory_space<vmem>>)
        %mul3A_183 = arith.constant 48 : i32
        %mul3A_184 = arith.muli %add3A_123, %mul3A_183 : i32
        %add3A_185 = arith.addi %multiple_of3A, %mul3A_184 : i32
        %multiple_of3A_186 = tpu.assume_multiple %add3A_185, 8 : i32
        %dma_start3A_187 = arith.constant 0 : i32
        %dma_start3A_188 = tpu.memref_slice %arg4[%multiple_of3A_186, %dma_start3A_187] : memref<1000000x128xf32, #tpu.memory_space<hbm>> -> memref<48x128xf32, #tpu.memory_space<hbm>>
        %dma_start3A_189 = arith.constant 0 : i32
        %dma_start3A_190 = tpu.memref_slice %arg4[%multiple_of3A_186, %dma_start3A_189] : memref<1000000x128xf32, #tpu.memory_space<hbm>> -> memref<48x128xf32, #tpu.memory_space<hbm>>
        tpu.enqueue_dma source(%arg8 : memref<48x128xf32, #tpu.memory_space<vmem>>) target(%dma_start3A_190 : memref<48x128xf32, #tpu.memory_space<hbm>>) target_semaphore(%arg18 : memref<!tpu.dma_semaphore, #tpu.memory_space<semaphore_mem>>)
      } else {
      }
      %ge3A_133 = arith.constant 1 : i32
      %ge3A_134 = arith.cmpi sge, %add3A_123, %ge3A_133 : i32
      %lt3A_135 = arith.constant 651 : i32
      %lt3A_136 = arith.cmpi slt, %sub3A_127, %lt3A_135 : i32
      %and3A_137 = arith.andi %ge3A_134, %lt3A_136 : i1
      %convert_element_type3A_138 = arith.extui %and3A_137 : i1 to i32
      %cond3A_139 = arith.constant 0 : i32
      %cond3A_140 = arith.cmpi ne, %convert_element_type3A_138, %cond3A_139 : i32
      scf.if %cond3A_140 {
        %sub3A_176 = arith.constant 1 : i32
        %sub3A_177 = arith.subi %add3A_123, %sub3A_176 : i32
        %mul3A_178 = arith.constant 48 : i32
        %mul3A_179 = arith.muli %sub3A_177, %mul3A_178 : i32
        %add3A_180 = arith.addi %multiple_of3A, %mul3A_179 : i32
        %multiple_of3A_181 = tpu.assume_multiple %add3A_180, 8 : i32
        %dma_wait3A_182 = arith.constant 0 : i32
        %dma_wait3A_183 = tpu.memref_slice %arg4[%multiple_of3A_181, %dma_wait3A_182] : memref<1000000x128xf32, #tpu.memory_space<hbm>> -> memref<48x128xf32, #tpu.memory_space<hbm>>
        %dma_wait3A_184 = arith.constant 0 : i32
        %dma_wait3A_185 = tpu.memref_slice %arg4[%multiple_of3A_181, %dma_wait3A_184] : memref<1000000x128xf32, #tpu.memory_space<hbm>> -> memref<48x128xf32, #tpu.memory_space<hbm>>
        tpu.wait_dma2 semaphore(%arg17 : memref<!tpu.dma_semaphore, #tpu.memory_space<semaphore_mem>>) src(%arg7 : memref<48x128xf32, #tpu.memory_space<vmem>>) dst(%dma_wait3A_185 : memref<48x128xf32, #tpu.memory_space<hbm>>)
        %mul3A_186 = arith.constant 48 : i32
        %mul3A_187 = arith.muli %sub3A_127, %mul3A_186 : i32
        %multiple_of3A_188 = tpu.assume_multiple %mul3A_187, 8 : i32
        %dma_start3A_189 = tpu.memref_slice %arg5[%multiple_of3A_188] : memref<31256xi32, #tpu.memory_space<vmem>> -> memref<48xi32, #tpu.memory_space<vmem>>
        %dma_start3A_190 = arith.constant 0 : i32
        %dma_start3A_191 = arith.constant 0 : i32
        %dma_start3A_192 = tpu.memref_slice %arg11[%dma_start3A_190, %dma_start3A_191] : memref<1008x128xf32, #tpu.memory_space<vmem_shared>> -> memref<1008x128xf32, #tpu.memory_space<vmem_shared>>
        tpu.enqueue_indirect_dma source(%dma_start3A_192 : memref<1008x128xf32, #tpu.memory_space<vmem_shared>>) target(%arg7 : memref<48x128xf32, #tpu.memory_space<vmem>>) offsets(%dma_start3A_189 : memref<48xi32, #tpu.memory_space<vmem>>) semaphore(%arg13 : memref<!tpu.dma_semaphore, #tpu.memory_space<semaphore_mem>>)
      } else {
      }
      %eq3A_141 = arith.constant 0 : i32
      %eq3A_142 = arith.cmpi eq, %add3A_123, %eq3A_141 : i32
      %lt3A_143 = arith.constant 651 : i32
      %lt3A_144 = arith.cmpi slt, %sub3A_127, %lt3A_143 : i32
      %and3A_145 = arith.andi %eq3A_142, %lt3A_144 : i1
      %convert_element_type3A_146 = arith.extui %and3A_145 : i1 to i32
      %cond3A_147 = arith.constant 0 : i32
      %cond3A_148 = arith.cmpi ne, %convert_element_type3A_146, %cond3A_147 : i32
      scf.if %cond3A_148 {
        %mul3A_176 = arith.constant 48 : i32
        %mul3A_177 = arith.muli %sub3A_127, %mul3A_176 : i32
        %multiple_of3A_178 = tpu.assume_multiple %mul3A_177, 8 : i32
        %dma_start3A_179 = tpu.memref_slice %arg5[%multiple_of3A_178] : memref<31256xi32, #tpu.memory_space<vmem>> -> memref<48xi32, #tpu.memory_space<vmem>>
        %dma_start3A_180 = arith.constant 0 : i32
        %dma_start3A_181 = arith.constant 0 : i32
        %dma_start3A_182 = tpu.memref_slice %arg11[%dma_start3A_180, %dma_start3A_181] : memref<1008x128xf32, #tpu.memory_space<vmem_shared>> -> memref<1008x128xf32, #tpu.memory_space<vmem_shared>>
        tpu.enqueue_indirect_dma source(%dma_start3A_182 : memref<1008x128xf32, #tpu.memory_space<vmem_shared>>) target(%arg7 : memref<48x128xf32, #tpu.memory_space<vmem>>) offsets(%dma_start3A_179 : memref<48xi32, #tpu.memory_space<vmem>>) semaphore(%arg13 : memref<!tpu.dma_semaphore, #tpu.memory_space<semaphore_mem>>)
      } else {
      }
      %add3A_149 = arith.constant 3 : i32
      %add3A_150 = arith.addi %add3A_70, %add3A_149 : i32
      %add3A_151 = arith.constant 4 : i32
      %add3A_152 = arith.addi %add3A_150, %add3A_151 : i32
      %sub3A_153 = arith.constant 1 : i32
      %sub3A_154 = arith.subi %add3A_152, %sub3A_153 : i32
      %lt3A_155 = arith.constant 651 : i32
      %lt3A_156 = arith.cmpi slt, %add3A_150, %lt3A_155 : i32
      %convert_element_type3A_157 = arith.extui %lt3A_156 : i1 to i32
      %cond3A_158 = arith.constant 0 : i32
      %cond3A_159 = arith.cmpi ne, %convert_element_type3A_157, %cond3A_158 : i32
      scf.if %cond3A_159 {
        %mul3A_176 = arith.constant 48 : i32
        %mul3A_177 = arith.muli %add3A_150, %mul3A_176 : i32
        %multiple_of3A_178 = tpu.assume_multiple %mul3A_177, 8 : i32
        %dma_wait3A_179 = tpu.memref_slice %arg5[%multiple_of3A_178] : memref<31256xi32, #tpu.memory_space<vmem>> -> memref<48xi32, #tpu.memory_space<vmem>>
        %dma_wait3A_180 = arith.constant 0 : i32
        %dma_wait3A_181 = arith.constant 0 : i32
        %dma_wait3A_182 = tpu.memref_slice %arg11[%dma_wait3A_180, %dma_wait3A_181] : memref<1008x128xf32, #tpu.memory_space<vmem_shared>> -> memref<1008x128xf32, #tpu.memory_space<vmem_shared>>
        tpu.wait_indirect_dma semaphore(%arg15 : memref<!tpu.dma_semaphore, #tpu.memory_space<semaphore_mem>>) src(%dma_wait3A_182 : memref<1008x128xf32, #tpu.memory_space<vmem_shared>>) dst(%arg9 : memref<48x128xf32, #tpu.memory_space<vmem>>)
        %mul3A_183 = arith.constant 48 : i32
        %mul3A_184 = arith.muli %add3A_150, %mul3A_183 : i32
        %add3A_185 = arith.addi %multiple_of3A, %mul3A_184 : i32
        %multiple_of3A_186 = tpu.assume_multiple %add3A_185, 8 : i32
        %dma_start3A_187 = arith.constant 0 : i32
        %dma_start3A_188 = tpu.memref_slice %arg4[%multiple_of3A_186, %dma_start3A_187] : memref<1000000x128xf32, #tpu.memory_space<hbm>> -> memref<48x128xf32, #tpu.memory_space<hbm>>
        %dma_start3A_189 = arith.constant 0 : i32
        %dma_start3A_190 = tpu.memref_slice %arg4[%multiple_of3A_186, %dma_start3A_189] : memref<1000000x128xf32, #tpu.memory_space<hbm>> -> memref<48x128xf32, #tpu.memory_space<hbm>>
        tpu.enqueue_dma source(%arg9 : memref<48x128xf32, #tpu.memory_space<vmem>>) target(%dma_start3A_190 : memref<48x128xf32, #tpu.memory_space<hbm>>) target_semaphore(%arg19 : memref<!tpu.dma_semaphore, #tpu.memory_space<semaphore_mem>>)
      } else {
      }
      %ge3A_160 = arith.constant 1 : i32
      %ge3A_161 = arith.cmpi sge, %add3A_150, %ge3A_160 : i32
      %lt3A_162 = arith.constant 651 : i32
      %lt3A_163 = arith.cmpi slt, %sub3A_154, %lt3A_162 : i32
      %and3A_164 = arith.andi %ge3A_161, %lt3A_163 : i1
      %convert_element_type3A_165 = arith.extui %and3A_164 : i1 to i32
      %cond3A_166 = arith.constant 0 : i32
      %cond3A_167 = arith.cmpi ne, %convert_element_type3A_165, %cond3A_166 : i32
      scf.if %cond3A_167 {
        %sub3A_176 = arith.constant 1 : i32
        %sub3A_177 = arith.subi %add3A_150, %sub3A_176 : i32
        %mul3A_178 = arith.constant 48 : i32
        %mul3A_179 = arith.muli %sub3A_177, %mul3A_178 : i32
        %add3A_180 = arith.addi %multiple_of3A, %mul3A_179 : i32
        %multiple_of3A_181 = tpu.assume_multiple %add3A_180, 8 : i32
        %dma_wait3A_182 = arith.constant 0 : i32
        %dma_wait3A_183 = tpu.memref_slice %arg4[%multiple_of3A_181, %dma_wait3A_182] : memref<1000000x128xf32, #tpu.memory_space<hbm>> -> memref<48x128xf32, #tpu.memory_space<hbm>>
        %dma_wait3A_184 = arith.constant 0 : i32
        %dma_wait3A_185 = tpu.memref_slice %arg4[%multiple_of3A_181, %dma_wait3A_184] : memref<1000000x128xf32, #tpu.memory_space<hbm>> -> memref<48x128xf32, #tpu.memory_space<hbm>>
        tpu.wait_dma2 semaphore(%arg18 : memref<!tpu.dma_semaphore, #tpu.memory_space<semaphore_mem>>) src(%arg8 : memref<48x128xf32, #tpu.memory_space<vmem>>) dst(%dma_wait3A_185 : memref<48x128xf32, #tpu.memory_space<hbm>>)
        %mul3A_186 = arith.constant 48 : i32
        %mul3A_187 = arith.muli %sub3A_154, %mul3A_186 : i32
        %multiple_of3A_188 = tpu.assume_multiple %mul3A_187, 8 : i32
        %dma_start3A_189 = tpu.memref_slice %arg5[%multiple_of3A_188] : memref<31256xi32, #tpu.memory_space<vmem>> -> memref<48xi32, #tpu.memory_space<vmem>>
        %dma_start3A_190 = arith.constant 0 : i32
        %dma_start3A_191 = arith.constant 0 : i32
        %dma_start3A_192 = tpu.memref_slice %arg11[%dma_start3A_190, %dma_start3A_191] : memref<1008x128xf32, #tpu.memory_space<vmem_shared>> -> memref<1008x128xf32, #tpu.memory_space<vmem_shared>>
        tpu.enqueue_indirect_dma source(%dma_start3A_192 : memref<1008x128xf32, #tpu.memory_space<vmem_shared>>) target(%arg8 : memref<48x128xf32, #tpu.memory_space<vmem>>) offsets(%dma_start3A_189 : memref<48xi32, #tpu.memory_space<vmem>>) semaphore(%arg14 : memref<!tpu.dma_semaphore, #tpu.memory_space<semaphore_mem>>)
      } else {
      }
      %eq3A_168 = arith.constant 0 : i32
      %eq3A_169 = arith.cmpi eq, %add3A_150, %eq3A_168 : i32
      %lt3A_170 = arith.constant 651 : i32
      %lt3A_171 = arith.cmpi slt, %sub3A_154, %lt3A_170 : i32
      %and3A_172 = arith.andi %eq3A_169, %lt3A_171 : i1
      %convert_element_type3A_173 = arith.extui %and3A_172 : i1 to i32
      %cond3A_174 = arith.constant 0 : i32
      %cond3A_175 = arith.cmpi ne, %convert_element_type3A_173, %cond3A_174 : i32
      scf.if %cond3A_175 {
        %mul3A_176 = arith.constant 48 : i32
        %mul3A_177 = arith.muli %sub3A_154, %mul3A_176 : i32
        %multiple_of3A_178 = tpu.assume_multiple %mul3A_177, 8 : i32
        %dma_start3A_179 = tpu.memref_slice %arg5[%multiple_of3A_178] : memref<31256xi32, #tpu.memory_space<vmem>> -> memref<48xi32, #tpu.memory_space<vmem>>
        %dma_start3A_180 = arith.constant 0 : i32
        %dma_start3A_181 = arith.constant 0 : i32
        %dma_start3A_182 = tpu.memref_slice %arg11[%dma_start3A_180, %dma_start3A_181] : memref<1008x128xf32, #tpu.memory_space<vmem_shared>> -> memref<1008x128xf32, #tpu.memory_space<vmem_shared>>
        tpu.enqueue_indirect_dma source(%dma_start3A_182 : memref<1008x128xf32, #tpu.memory_space<vmem_shared>>) target(%arg8 : memref<48x128xf32, #tpu.memory_space<vmem>>) offsets(%dma_start3A_179 : memref<48xi32, #tpu.memory_space<vmem>>) semaphore(%arg14 : memref<!tpu.dma_semaphore, #tpu.memory_space<semaphore_mem>>)
      } else {
      }
    }
    %scan3A_35 = arith.constant 163 : i32
    %add3A_36 = arith.constant 31056 : i32
    %add3A_37 = arith.addi %multiple_of3A, %add3A_36 : i32
    %multiple_of3A_38 = tpu.assume_multiple %add3A_37, 8 : i32
    %dma_wait3A = arith.constant 0 : i32
    %dma_wait3A_39 = tpu.memref_slice %arg4[%multiple_of3A_38, %dma_wait3A] : memref<1000000x128xf32, #tpu.memory_space<hbm>> -> memref<48x128xf32, #tpu.memory_space<hbm>>
    %dma_wait3A_40 = arith.constant 0 : i32
    %dma_wait3A_41 = tpu.memref_slice %arg4[%multiple_of3A_38, %dma_wait3A_40] : memref<1000000x128xf32, #tpu.memory_space<hbm>> -> memref<48x128xf32, #tpu.memory_space<hbm>>
    tpu.wait_dma2 semaphore(%arg19 : memref<!tpu.dma_semaphore, #tpu.memory_space<semaphore_mem>>) src(%arg9 : memref<48x128xf32, #tpu.memory_space<vmem>>) dst(%dma_wait3A_41 : memref<48x128xf32, #tpu.memory_space<hbm>>)
    %add3A_42 = arith.constant 31104 : i32
    %add3A_43 = arith.addi %multiple_of3A, %add3A_42 : i32
    %multiple_of3A_44 = tpu.assume_multiple %add3A_43, 8 : i32
    %dma_wait3A_45 = arith.constant 0 : i32
    %dma_wait3A_46 = tpu.memref_slice %arg4[%multiple_of3A_44, %dma_wait3A_45] : memref<1000000x128xf32, #tpu.memory_space<hbm>> -> memref<48x128xf32, #tpu.memory_space<hbm>>
    %dma_wait3A_47 = arith.constant 0 : i32
    %dma_wait3A_48 = tpu.memref_slice %arg4[%multiple_of3A_44, %dma_wait3A_47] : memref<1000000x128xf32, #tpu.memory_space<hbm>> -> memref<48x128xf32, #tpu.memory_space<hbm>>
    tpu.wait_dma2 semaphore(%arg16 : memref<!tpu.dma_semaphore, #tpu.memory_space<semaphore_mem>>) src(%arg6 : memref<48x128xf32, #tpu.memory_space<vmem>>) dst(%dma_wait3A_48 : memref<48x128xf32, #tpu.memory_space<hbm>>)
    %add3A_49 = arith.constant 31152 : i32
    %add3A_50 = arith.addi %multiple_of3A, %add3A_49 : i32
    %multiple_of3A_51 = tpu.assume_multiple %add3A_50, 8 : i32
    %dma_wait3A_52 = arith.constant 0 : i32
    %dma_wait3A_53 = tpu.memref_slice %arg4[%multiple_of3A_51, %dma_wait3A_52] : memref<1000000x128xf32, #tpu.memory_space<hbm>> -> memref<48x128xf32, #tpu.memory_space<hbm>>
    %dma_wait3A_54 = arith.constant 0 : i32
    %dma_wait3A_55 = tpu.memref_slice %arg4[%multiple_of3A_51, %dma_wait3A_54] : memref<1000000x128xf32, #tpu.memory_space<hbm>> -> memref<48x128xf32, #tpu.memory_space<hbm>>
    tpu.wait_dma2 semaphore(%arg17 : memref<!tpu.dma_semaphore, #tpu.memory_space<semaphore_mem>>) src(%arg7 : memref<48x128xf32, #tpu.memory_space<vmem>>) dst(%dma_wait3A_55 : memref<48x128xf32, #tpu.memory_space<hbm>>)
    %add3A_56 = arith.constant 31200 : i32
    %add3A_57 = arith.addi %multiple_of3A, %add3A_56 : i32
    %multiple_of3A_58 = tpu.assume_multiple %add3A_57, 8 : i32
    %dma_wait3A_59 = arith.constant 0 : i32
    %dma_wait3A_60 = tpu.memref_slice %arg4[%multiple_of3A_58, %dma_wait3A_59] : memref<1000000x128xf32, #tpu.memory_space<hbm>> -> memref<48x128xf32, #tpu.memory_space<hbm>>
    %dma_wait3A_61 = arith.constant 0 : i32
    %dma_wait3A_62 = tpu.memref_slice %arg4[%multiple_of3A_58, %dma_wait3A_61] : memref<1000000x128xf32, #tpu.memory_space<hbm>> -> memref<48x128xf32, #tpu.memory_space<hbm>>
    tpu.wait_dma2 semaphore(%arg18 : memref<!tpu.dma_semaphore, #tpu.memory_space<semaphore_mem>>) src(%arg8 : memref<48x128xf32, #tpu.memory_space<vmem>>) dst(%dma_wait3A_62 : memref<48x128xf32, #tpu.memory_space<hbm>>)
    %convert_element_type3A_63 = arith.extui %eq3A_11 : i1 to i32
    %cond3A_64 = arith.constant 0 : i32
    %cond3A_65 = arith.cmpi ne, %convert_element_type3A_63, %cond3A_64 : i32
    scf.if %cond3A_65 {
      %multiple_of3A_66 = arith.constant 31248 : i32
      %multiple_of3A_67 = tpu.assume_multiple %multiple_of3A_66, 8 : i32
      %dma_start3A_68 = tpu.memref_slice %arg5[%multiple_of3A_67] : memref<31256xi32, #tpu.memory_space<vmem>> -> memref<8xi32, #tpu.memory_space<vmem>>
      %dma_start3A_69 = arith.constant 0 : i32
      %dma_start3A_70 = arith.constant 0 : i32
      %dma_start3A_71 = tpu.memref_slice %arg11[%dma_start3A_69, %dma_start3A_70] : memref<1008x128xf32, #tpu.memory_space<vmem_shared>> -> memref<1008x128xf32, #tpu.memory_space<vmem_shared>>
      tpu.enqueue_indirect_dma source(%dma_start3A_71 : memref<1008x128xf32, #tpu.memory_space<vmem_shared>>) target(%arg10 : memref<8x128xf32, #tpu.memory_space<vmem>>) offsets(%dma_start3A_68 : memref<8xi32, #tpu.memory_space<vmem>>) semaphore(%arg12 : memref<!tpu.dma_semaphore, #tpu.memory_space<semaphore_mem>>)
      %dma_wait3A_72 = tpu.memref_slice %arg5[%multiple_of3A_67] : memref<31256xi32, #tpu.memory_space<vmem>> -> memref<8xi32, #tpu.memory_space<vmem>>
      %dma_wait3A_73 = arith.constant 0 : i32
      %dma_wait3A_74 = arith.constant 0 : i32
      %dma_wait3A_75 = tpu.memref_slice %arg11[%dma_wait3A_73, %dma_wait3A_74] : memref<1008x128xf32, #tpu.memory_space<vmem_shared>> -> memref<1008x128xf32, #tpu.memory_space<vmem_shared>>
      tpu.wait_indirect_dma semaphore(%arg12 : memref<!tpu.dma_semaphore, #tpu.memory_space<semaphore_mem>>) src(%dma_wait3A_75 : memref<1008x128xf32, #tpu.memory_space<vmem_shared>>) dst(%arg10 : memref<8x128xf32, #tpu.memory_space<vmem>>)
      %add3A_76 = arith.constant 31248 : i32
      %add3A_77 = arith.addi %multiple_of3A, %add3A_76 : i32
      %multiple_of3A_78 = tpu.assume_multiple %add3A_77, 8 : i32
      %dma_start3A_79 = arith.constant 0 : i32
      %dma_start3A_80 = tpu.memref_slice %arg4[%multiple_of3A_78, %dma_start3A_79] : memref<1000000x128xf32, #tpu.memory_space<hbm>> -> memref<8x128xf32, #tpu.memory_space<hbm>>
      %dma_start3A_81 = arith.constant 0 : i32
      %dma_start3A_82 = tpu.memref_slice %arg4[%multiple_of3A_78, %dma_start3A_81] : memref<1000000x128xf32, #tpu.memory_space<hbm>> -> memref<8x128xf32, #tpu.memory_space<hbm>>
      tpu.enqueue_dma source(%arg10 : memref<8x128xf32, #tpu.memory_space<vmem>>) target(%dma_start3A_82 : memref<8x128xf32, #tpu.memory_space<hbm>>) target_semaphore(%arg16 : memref<!tpu.dma_semaphore, #tpu.memory_space<semaphore_mem>>)
      %dma_wait3A_83 = arith.constant 0 : i32
      %dma_wait3A_84 = tpu.memref_slice %arg4[%multiple_of3A_78, %dma_wait3A_83] : memref<1000000x128xf32, #tpu.memory_space<hbm>> -> memref<8x128xf32, #tpu.memory_space<hbm>>
      %dma_wait3A_85 = arith.constant 0 : i32
      %dma_wait3A_86 = tpu.memref_slice %arg4[%multiple_of3A_78, %dma_wait3A_85] : memref<1000000x128xf32, #tpu.memory_space<hbm>> -> memref<8x128xf32, #tpu.memory_space<hbm>>
      tpu.wait_dma2 semaphore(%arg16 : memref<!tpu.dma_semaphore, #tpu.memory_space<semaphore_mem>>) src(%arg10 : memref<8x128xf32, #tpu.memory_space<vmem>>) dst(%dma_wait3A_86 : memref<8x128xf32, #tpu.memory_space<hbm>>)
    } else {
    }
    return
  }
}

</mosaic_0001>

<sc_bundles>
// kernel: kernel.3.cloned.1.call-start
scs
__scs_entry_jumppad:
0x0: {  	(pc) =	sbr.rel $0x88, $3  }
0x1: {  	(tag) =	ssettag $0x0;
	lr =	simm.s32 $0x1  }
0x2: {  	[smem:$0x3F9F] =	sst lr;
	_ =	strace $0xD0000000  }
0x3: {  	_ = 	snop  }
0x4: {  	_ = 	snop  }
0x5: {  	_ = 	snop  }
0x6: {  	_ = 	snop  }
0x7: {  	_ = 	snop  }
__scs_overlays_trampoline_lowered:
0x8: {  	[smem:$0x3FAE] =	sst s0  }
0x9: {  	[smem:$0x3FAF] =	sst s1  }
0xa: {  	[smem:$0x3FB0] =	sst s2  }
0xb: {  	[smem:$0x3FB1] =	sst s3  }
0xc: {  	[smem:$0x3FB2] =	sst s4  }
0xd: {  	[smem:$0x3FB3] =	sst s5  }
0xe: {  	[smem:$0x3FB4] =	sst s6  }
0xf: {  	[smem:$0x3FB5] =	sst s7  }
0x10: {  	[smem:$0x3FB6] =	sst s8  }
0x11: {  	[smem:$0x3FB7] =	sst s9;
	s0 =	simm.s32 @!p0 $0x0  }
0x12: {  	s1 =	sld [smem:$0x3F9D];
	s0 =	simm.s32 @p0 $0x1  }
0x13: {  	[smem:$0x3FB8] =	sst s0;
	s0 =	simm.s32 @!p1 $0x0  }
0x14: {  	s2 =	sld [smem:$0x3F9C];
	s0 =	simm.s32 @p1 $0x1  }
0x15: {  	[smem:$0x3FB9] =	sst s0;
	s0 =	simm.s32 @!p2 $0x0  }
0x16: {  	s3 =	sld [smem:$0x3FDB];
	s0 =	simm.s32 @p2 $0x1  }
0x17: {  	s4 =	simm.s32 $0x1BF5;
	[smem:$0x3FBB] =	sst s0  }
0x18: {  	s0 =	sld [smem:$0x3F9E];
	_ =	swait.ge [sflag:s4], $0x0  }
0x19: {  	s7 =	sld [smem:$0x3F9F]  }
0x1a: {  	s8 =	sadd.s32 $0xFFFFE003, lr  }
0x1b: {  	s9 =	sadd.s32 $0xFFFFFEF7, lr;
	s5 =	simm.s32 $0xFFFFFFFF;
	p2 =	slt.u32 s8, $0xFFFFF086  }
0x1c: {  	p1 =	slt.u32 s9, $0xF7A;
	s5 =	simm.s32 @!p2 $0x0  }
0x1d: {  	s5 =	simm.s32 @p1 $0x1;
	p0 =	seq.s32 s7, s2  }
0x1e: {  	s7 =	smul.u32 @!p0 $0xF7A, s2;
	p2 =	seq.s32 @!p0 s5, $0x0  }
0x1f: {  	s9 =	smul.u32 $0xF7A, s1;
	s8 =	simm.s32 @!p0 $0x1BF5;
	p2 =	por !p2, p0  }
0x20: {  	[sflag:s8] =	ssyncset.s32 @!p0 $0xFFFFF086;
	s6 =	sadd.s32 @!p0 s3, s7;
	s7 =	simm.s32 @!p0 $0x108  }
0x21: {  	s3 =	sadd.s32 s3, s9;
	s6 =	sadd.s32 @!p0 $0x88, s6;
	s7 =	simm.s32 @p2 $0x1082  }
0x22: {  	[simem:s7], [sflag:s8] =	dma.local @!p0 [hbm:s6], $0xF7A  }
0x23: {  	s9 =	sor.u32 $0xD0000000, s2;
	s6 =	simm.s32 $0x108;
	_ =	swait.ge @!p0 [sflag:s8], $0x0  }
0x24: {  	s3 =	sadd.s32 $0x88, s3;
	s6 =	simm.s32 @!p1 $0x1082;
	[sflag:s4] =	ssyncset.s32 $0xFFFFF086  }
0x25: {  	[simem:s6], [sflag:s4] =	dma.local [hbm:s3], $0xF7A  }
0x26: {  	[smem:$0x3F9F] =	sst s1;
	(tag) =	ssettag s2;
	_ =	strace s9  }
0x27: {  	s1 =	sld [smem:$0x3FAF]  }
0x28: {  	s2 =	sld [smem:$0x3FB0]  }
0x29: {  	s4 =	sld [smem:$0x3FB2]  }
0x2a: {  	p0 =	seq.s32 s5, $0x0;
	s5 =	sld [smem:$0x3FB3]  }
0x2b: {  	s6 =	sld [smem:$0x3FB4]  }
0x2c: {  	s7 =	sld [smem:$0x3FB5]  }
0x2d: {  	s3 =	simm.s32 $0x108;
	s8 =	sld [smem:$0x3FB6]  }
0x2e: {  	s3 =	simm.s32 @!p0 $0x1082;
	s9 =	sld [smem:$0x3FB7]  }
0x2f: {  	lr =	sadd.s32 s0, s3;
	s0 =	sld [smem:$0x3FAE]  }
0x30: {  	s3 =	sld [smem:$0x3FB1]  }
0x31: {  	[smem:$0x3FBA] =	sst s10  }
0x32: {  	s10 =	sld [smem:$0x3FB8];
	_ =	sdelay $0x3  }
0x33: {  	p0 =	seq.s32 s10, $0x1;
	s10 =	sld [smem:$0x3FBA];
	_ =	sdelay $0x3  }
0x34: {  	[smem:$0x3FBA] =	sst s10  }
0x35: {  	s10 =	sld [smem:$0x3FB9];
	_ =	sdelay $0x3  }
0x36: {  	p1 =	seq.s32 s10, $0x1;
	s10 =	sld [smem:$0x3FBA];
	_ =	sdelay $0x3  }
0x37: {  	[smem:$0x3FBA] =	sst s10  }
0x38: {  	s10 =	sld [smem:$0x3FBB]  }
0x39: {  	_ = 	snop;
	(pc) =	sbr.ind lr, $3  }
0x3a: {  	_ = 	snop  }
0x3b: {  	_ = 	snop  }
0x3c: {  	p2 =	seq.s32 s10, $0x1;
	s10 =	sld [smem:$0x3FBA]  }
0x3d: {  	_ =	shalt  }
0x3e: {  	_ =	shalt  }
0x3f: {  	_ =	shalt  }
0x40: {  	_ =	shalt  }
0x41: {  	_ =	shalt  }
0x42: {  	_ =	shalt  }
0x43: {  	_ =	shalt  }
0x44: {  	_ =	shalt  }
0x45: {  	_ =	shalt  }
0x46: {  	_ =	shalt  }
0x47: {  	_ =	shalt  }
0x48: {  	_ =	shalt  }
0x49: {  	_ =	shalt  }
0x4a: {  	_ =	shalt  }
0x4b: {  	_ =	shalt  }
0x4c: {  	_ =	shalt  }
0x4d: {  	_ =	shalt  }
0x4e: {  	_ =	shalt  }
0x4f: {  	_ =	shalt  }
0x50: {  	_ =	shalt  }
0x51: {  	_ =	shalt  }
0x52: {  	_ =	shalt  }
0x53: {  	_ =	shalt  }
0x54: {  	_ =	shalt  }
0x55: {  	_ =	shalt  }
0x56: {  	_ =	shalt  }
0x57: {  	_ =	shalt  }
0x58: {  	_ =	shalt  }
0x59: {  	_ =	shalt  }
0x5a: {  	_ =	shalt  }
0x5b: {  	_ =	shalt  }
0x5c: {  	_ =	shalt  }
0x5d: {  	_ =	shalt  }
0x5e: {  	_ =	shalt  }
0x5f: {  	_ =	shalt  }
0x60: {  	_ =	shalt  }
0x61: {  	_ =	shalt  }
0x62: {  	_ =	shalt  }
0x63: {  	_ =	shalt  }
0x64: {  	_ =	shalt  }
0x65: {  	_ =	shalt  }
0x66: {  	_ =	shalt  }
0x67: {  	_ =	shalt  }
0x68: {  	_ =	shalt  }
0x69: {  	_ =	shalt  }
0x6a: {  	_ =	shalt  }
0x6b: {  	_ =	shalt  }
0x6c: {  	_ =	shalt  }
0x6d: {  	_ =	shalt  }
0x6e: {  	_ =	shalt  }
0x6f: {  	_ =	shalt  }
0x70: {  	_ =	shalt  }
0x71: {  	_ =	shalt  }
0x72: {  	_ =	shalt  }
0x73: {  	_ =	shalt  }
0x74: {  	_ =	shalt  }
0x75: {  	_ =	shalt  }
0x76: {  	_ =	shalt  }
0x77: {  	_ =	shalt  }
0x78: {  	_ =	shalt  }
0x79: {  	_ =	shalt  }
0x7a: {  	_ =	shalt  }
0x7b: {  	_ =	shalt  }
0x7c: {  	_ =	shalt  }
0x7d: {  	_ =	shalt  }
0x7e: {  	_ =	shalt  }
0x7f: {  	_ =	shalt  }
0x80: {  	_ =	shalt  }
0x81: {  	_ =	shalt  }
0x82: {  	_ =	shalt  }
0x83: {  	_ =	shalt  }
0x84: {  	_ =	shalt  }
0x85: {  	_ =	shalt  }
0x86: {  	_ =	shalt  }
0x87: {  	_ =	shalt  }
.Lfunc_end0:
.L_simem_size_0:
called_computation_lowered:
.L_overlay_start_0:
0x88: {  	s2 =	sld [smem:$0x3FD9]  }
0x89: {  	s3 =	sld [smem:$0x3FFE];
	_ =	sdelay $0x1  }
0x8a: {  	s1 =	srdreg.scid  }
0x8b: {  	s0 =	sand.u32 $0x1, s1  }
0x8c: {  	s17 =	sshll.u32 s0, $0xA;
	s2 =	sadd.s32 s3, s2  }
0x8d: {  	s2 =	sadd.s32 s2, s17  }
0x8e: {  	[smem:$0x3FC6] =	sst s2  }
0x8f: {  	_ = 	snop  }
0x90: {  	s2 =	sld [smem:$0x3FC9]  }
0x91: {  	s18 =	sld [smem:$0x3FD0];
	(tm) =	ssettm $0x1  }
0x92: {  	s4 =	sld [smem:$0x3FFB];
	_ =	sdelay $0x3  }
0x93: {  	_ =	strace s4  }
0x94: {  	s4 =	sld [smem:$0x3FFC];
	_ =	sdelay $0x3  }
0x95: {  	_ =	strace s4  }
0x96: {  	s4 =	sld [smem:$0x3FFD];
	_ =	sdelay $0x3  }
0x97: {  	_ =	strace s4  }
0x98: {  	_ =	strace $0x8FFFFFFF  }
0x99: {  	s19 =	sld [smem:$0x3FDB];
	_ =	sdelay $0x1  }
0x9a: {  	s5 =	simm.s32 $_scs_section_size  }
0x9b: {  	s6 =	simm.s32 $_size__tile_overlayer_lowered;
	s7 =	simm.s32 $_tile_overlayer_lowered  }
0x9c: {  	s22 =	simm.s32 $0x1BFF;
	s21 =	sshll.u32 s7, $0x1;
	s4 =	sadd.s32 s5, s19  }
0x9d: {  	s8 =	simm.s32 $0x0;
	s20 =	sshll.u32 s6, $0x1;
	s6 =	sadd.s32 s21, s4  }
0x9e: {  	[timem:s8], [sflag:s22] =	dma.local [hbm:s6], s20  }
0x9f: {  	_ =	swait.ge [sflag:s22], s20  }
0xa0: {  	s5 =	ssub.s32 $0x0, s20;
	[sflag:s22] =	ssyncset.done $0x0  }
0xa1: {  	[sflag:s22] =	ssyncadd.s32 s5;
	_ =	sdelay $0x1  }
0xa2: {  	s23 =	simm.s32 $0x1B8B  }
0xa3: {  	_ =	swait.ge [sflag:s23], $0x1  }
0xa4: {  	[sflag:s23] =	ssyncset.done $0x0  }
0xa5: {  	s25 =	simm.s32 $0x1B8E;
	s24 =	sld [smem:$0x3FFE];
	[sflag:s23] =	ssyncadd.s32 $0xFFFFFFFF  }
0xa6: {  	s26 =	simm.s32 $execute0_lowered;
	[smem:$0x3FD2] =	sst s25  }
0xa7: {  	s6 =	sshll.u32 s26, $0x1;
	_ =	strace $0x80000046;
	[dreg:$0x1] =	wrdreg $0xFFFFFFFF  }
0xa8: {  	s28 =	simm.s32 $_size_execute0_lowered;
	s4 =	sadd.s32 s4, s6;
	[dreg:$0x0] =	wrdreg $0x0  }
0xa9: {  	s6 =	sshll.u32 s28, $0x1;
	[dreg:$0x2] =	wrdreg s4  }
0xaa: {  	[dreg:$0x3] =	wrdreg s6  }
0xab: {  	[dreg:$0x4] =	wrdreg $0xC0  }
0xac: {  	_ =	task [dreg:s8], $0x5FFFF  }
0xad: {  	[dreg:$0x1] =	wrdreg $0xFFFFFFFF  }
0xae: {  	[dreg:$0x0] =	wrdreg $0x60  }
0xaf: {  	[dreg:$0x2] =	wrdreg s2  }
0xb0: {  	[dreg:$0x3] =	wrdreg s24  }
0xb1: {  	[dreg:$0x4] =	wrdreg s18  }
0xb2: {  	[dreg:$0x5] =	wrdreg $0xDE800  }
0xb3: {  	[dreg:$0x6] =	wrdreg $0x9  }
0xb4: {  	_ =	task.clear_ibuf [dreg:s8], $0x7FFFF;
	_ =	strace $0x90000046  }
0xb5: {  	s29 =	simm.s32 $0x9;
	_ =	strace $0x80000048  }
0xb6: {  	_ =	swait.ge [sflag:s29], $0x1  }
0xb7: {  	[sflag:s29] =	ssyncadd.s32 $0xFFFFFFFF  }
0xb8: {  	_ =	strace $0x90000048  }
0xb9: {  	_ =	sfence  }
0xba: {  	s30 =	sld [smem:$0x0];
	_ =	sdelay $0x2  }
0xbb: {  	s31 =	sshll.u32 s1, $0xD;
	s1 =	sshrl.u32 s1, $0x2  }
0xbc: {  	s3 =	sand.u32 $0x4000, s31;
	s1 =	sadd.s32 s1, s30  }
0xbd: {  	s0 =	sor.u32 s3, s0;
	s1 =	sshll.u32 s1, $0x11  }
0xbe: {  	s0 =	sor.u32 s1, s0  }
0xbf: {  	s0 =	sadd.s32 $0x8F2B, s0  }
0xc0: {  	[sflag:s0] =	ssyncadd.remote.s32 $0x1  }
0xc1: {  	_ =	sfence.sel $0xFFFF  }
0xc2: {  	[dreg:$0x0] =	wrdreg $0xFFFFFFFF;
	(pc) =	sbr.abs _section_cstart, $3  }
0xc3: {  	[dreg:$0x1] =	wrdreg $0xFFFFFFFF  }
0xc4: {  	_ =	task.clear_ibuf [dreg:s8], $0x2FFFF;
	_ =	strace $0x9FFFFFFF  }
0xc5: {  	(tm) =	ssettm $0x7FFFFFFF  }
tec
execute0_lowered:
.L_overlay_start_1:
0x0: {  	(tag) =	ssettag $0x1  }
0x1: {  	s1 =	rddreg [dreg:$0x0]  }
0x2: {  	s4 =	rddreg [dreg:$0x1]  }
0x3: {  	s0 =	rddreg [dreg:$0x2];
	s3 =	srdreg.scid  }
0x4: {  	s10 =	stileid.u32;
	s2 =	rddreg [dreg:$0x3]  }
0x5: {  	s14 =	simm.s32 $0x7A80;
	s15 =	simm.s32 $0x9280;
	s17 =	simm.s32 $0xAA80  }
0x6: {  	s18 =	simm.s32 $0x1;
	s19 =	simm.s32 $0x8;
	s20 =	simm.s32 $0x30  }
0x7: {  	s21 =	simm.s32 $0xC280;
	s22 =	simm.s32 $0x2;
	s5 =	sand.u32 $0x1, s3  }
0x8: {  	s6 =	sshll.u32 s10, $0x1;
	s3 =	simm.s32 $0x0;
	s9 =	smul.u32 $0xF424, s10  }
0x9: {  	s4 =	sadd.s32 $0x400, s4;
	p0 =	sne.s32 s10, $0x0;
	s6 =	sor.u32 s5, s6  }
0xa: {  	[smem:$0x7FF] =	sst s3;
	s8 =	ssub.s32 $0x2, s5;
	s12 =	smul.u32 $0x7A12, s5  }
0xb: {  	s7 =	smul.u32 $0x7A12, s6;
	_ =	strace $0x80000047;
	s11 =	sshrl.u32 s8, $0x1  }
0xc: {  	[dreg:$0x5] =	wrdreg s4;
	s13 =	sand.u32 $0x3, s6;
	s11 =	ssub.s32 s8, s11  }
0xd: {  	s25 =	sadd.s32 s12, s9;
	s12 =	sshrl.u32 @!p0 s2, $0x3;
	p1 =	sne.s32 s13, $0x3  }
0xe: {  	s13 =	simm.s32 $0x9;
	s5 =	sand.u32 $0xFFFF8, s7;
	s23 =	sshrl.u32 s7, $0x3  }
0xf: {  	s9 =	sshll.u32 s25, $0x4;
	s25 =	simm.s32 $0x7;
	s24 =	sshll.u32 s5, $0x4  }
.Ltmp0:
0x10: {  	s6 =	sadd.s32 s1, s23;
	s30 =	sand.u32 $0x1FFFF80, s9;
	(pc) =	sbr.rel .LBB2_1-.Ltmp0, $4  }
0x11: {  	s9 =	smax.u32 s11, $0x1;
	s23 =	simm.s32 $0x5;
	s26 =	sadd.s32 s0, s24  }
0x12: {  	s28 =	sadd.s32 $0xF42, s6;
	s31 =	sadd.s32 s30, s0;
	s24 =	simm.s32 $0x6  }
0x13: {  	[dreg:$0x6] =	wrdreg s28;
	s29 =	sadd.s32 $0x7A100, s26;
	s10 =	sadd.s32 $0x79E00, s26  }
0x14: {  	s11 =	sadd.s32 $0x600, s31;
	s26 =	simm.s32 $0x0;
	[dreg:$0x7] =	wrdreg s29  }
.LBB2_7:
0x15: {  	_ =	swait.ge [sflag:s19], $0x1800  }
0x16: {  	[sflag:s19] =	ssyncset.done $0x0  }
0x17: {  	[sflag:s19] =	ssyncadd.s32 $0xFFFFE800  }
0x18: {  	_ =	swait.ge [sflag:s23], $0x1800  }
0x19: {  	[sflag:s23] =	ssyncset.done $0x0  }
0x1a: {  	[sflag:s23] =	ssyncadd.s32 $0xFFFFE800  }
0x1b: {  	_ =	swait.ge [sflag:s24], $0x1800  }
0x1c: {  	[sflag:s24] =	ssyncset.done $0x0  }
0x1d: {  	[sflag:s24] =	ssyncadd.s32 $0xFFFFE800  }
0x1e: {  	_ =	swait.ge [sflag:s25], $0x1800  }
0x1f: {  	s1 =	simm.s32 @!p1 $0x8;
	[sflag:s25] =	ssyncset.done $0x0  }
0x20: {  	s4 =	simm.s32 @!p1 $0x7A10;
	s7 =	simm.s32 @!p1 $0xDA80;
	[sflag:s25] =	ssyncadd.s32 $0xFFFFE800  }
0x21: {  	[tilespmem:s7], [sflag:$0x1] =	stream.indirect.gather @!p1 [spmem:s2], $0x80, s4, s1, $0xb8;
	[tilespmem:$0xFE00] =	vst v63  }
0x22: {  	s1 =	simm.s32 @!p1 $0x1  }
0x23: {  	s26 =	sadd.s32 $0x1, s26;
	_ =	swait.ge @!p1 [sflag:s1], $0x400  }
0x24: {  	p2 =	sne.s32 s26, s9;
	[sflag:s1] =	ssyncset.done @!p1 $0x0  }
0x25: {  	s4 =	rddreg [dreg:$0x7];
	[sflag:s1] =	ssyncadd.s32 @!p1 $0xFFFFFC00;
	s1 =	simm.s32 @!p1 $0x0  }
0x26: {  	[hbm4b:s4+s1] =	stream.linear.scatter @!p1 [tilespmem:s7], [sflag:$0x5], $0x400, $0x38;
	[tilespmem:$0xFE00] =	vst v63  }
.Ltmp1:
0x27: {  	_ = 	snop;
	(pc) =	sbr.rel @!p2 .LBB2_8-.Ltmp1, $4  }
0x28: {  	s1 =	simm.s32 @!p1 $0x5  }
0x29: {  	_ =	swait.ge @!p1 [sflag:s1], $0x400  }
0x2a: {  	[sflag:s1] =	ssyncset.done @!p1 $0x0  }
0x2b: {  	[sflag:s1] =	ssyncadd.s32 @!p1 $0xFFFFFC00  }
.LBB2_1:
0x2c: {  	s1 =	simm.s32 @!p0 $0x1C09;
	s4 =	rddreg [dreg:$0x5]  }
0x2d: {  	[spmem:s12], [sflag:s1] =	dma.local @!p0 [hbm:s4], $0x3F00  }
0x2e: {  	s1 =	simm.s32 @!p0 $0x9  }
0x2f: {  	_ =	swait.ge @!p0 [sflag:s1], $0x3F00  }
0x30: {  	[sflag:s1] =	ssyncset.done @!p0 $0x0  }
0x31: {  	[sflag:s1] =	ssyncadd.s32 @!p0 $0xFFFFC100  }
0x32: {  	[bflag:$0x0] =	sbarrier.arrive $0xFFFF  }
0x33: {  	[tilespmem:s3], [sflag:$0x9] =	stream.linear.gather [hbm4b:s6+s3], $0x7A10, $0x38;
	[tilespmem:$0xFE00] =	vst v63  }
0x34: {  	_ =	swait.ge [sflag:s13], $0x7A10  }
0x35: {  	s16 =	simm.s32 @!p1 $0x7A10;
	[sflag:s13] =	ssyncset.done $0x0  }
0x36: {  	s1 =	simm.s32 @!p1 $0x0;
	s4 =	rddreg [dreg:$0x6];
	[sflag:s13] =	ssyncadd.s32 $0xFFFF85F0  }
0x37: {  	[tilespmem:s16], [sflag:$0x9] =	stream.linear.gather @!p1 [hbm4b:s4+s1], $0x8, $0x38;
	[tilespmem:$0xFE00] =	vst v63  }
0x38: {  	s1 =	simm.s32 @!p1 $0x9  }
0x39: {  	_ =	swait.ge @!p1 [sflag:s1], $0x8  }
0x3a: {  	[sflag:s1] =	ssyncset.done @!p1 $0x0  }
0x3b: {  	[sflag:s1] =	ssyncadd.s32 @!p1 $0xFFFFFFF8  }
0x3c: {  	[tilespmem:s14], [sflag:$0x1] =	stream.indirect.gather [spmem:s2], $0x80, s3, s20, $0xb8;
	[tilespmem:$0xFE00] =	vst v63  }
0x3d: {  	s29 =	simm.s32 $0x60;
	s28 =	simm.s32 $0x3  }
0x3e: {  	[tilespmem:s15], [sflag:$0x2] =	stream.indirect.gather [spmem:s2], $0x80, s20, s20, $0xb8;
	[tilespmem:$0xFE00] =	vst v63  }
0x3f: {  	s30 =	smov.u32 s11;
	s31 =	simm.s32 $0x0;
	s16 =	simm.s32 $0x30  }
0x40: {  	[tilespmem:s17], [sflag:$0x3] =	stream.indirect.gather [spmem:s2], $0x80, s29, s20, $0xb8;
	[tilespmem:$0xFE00] =	vst v63  }
.LBB2_2:
0x41: {  	p2 =	seq.s32 s31, $0x0  }
0x42: {  	p3 =	sgt.u32 @!p2 s28, $0x28A  }
0x43: {  	p2 =	por p2, p3  }
.Ltmp2:
0x44: {  	_ =	swait.ge [sflag:s18], $0x1800;
	(pc) =	sbr.rel @p2 .LBB2_4-.Ltmp2, $4  }
0x45: {  	[sflag:s18] =	ssyncset.done $0x0  }
0x46: {  	s1 =	sadd.s32 $0xFFFFFA00, s30;
	[sflag:s18] =	ssyncadd.s32 $0xFFFFE800  }
0x47: {  	[hbm4b:s1+s3] =	stream.linear.scatter [tilespmem:s14], [sflag:$0x5], $0x1800, $0x38;
	[tilespmem:$0xFE00] =	vst v63  }
0x48: {  	s1 =	sshra.s32 s31, $0x2  }
.Ltmp3:
0x49: {  	_ =	swait.ge [sflag:s19], $0x1800;
	(pc) =	sbr.rel .LBB2_5-.Ltmp3, $4  }
0x4a: {  	[sflag:s19] =	ssyncset.done $0x0  }
0x4b: {  	s29 =	sadd.s32 $0x90, s1;
	[sflag:s19] =	ssyncadd.s32 $0xFFFFE800  }
0x4c: {  	[tilespmem:s21], [sflag:$0x4] =	stream.indirect.gather [spmem:s2], $0x80, s29, s20, $0xb8;
	[tilespmem:$0xFE00] =	vst v63  }
0x4d: {  	s29 =	smov.u32 s16  }
.LBB2_4:
0x4e: {  	p2 =	sne.s32 s31, $0x0  }
0x4f: {  	s29 =	sshra.s32 @!p2 s31, $0x2  }
0x50: {  	s4 =	simm.s32 @!p2 $0x30;
	s7 =	simm.s32 @!p2 $0xC280;
	s29 =	sadd.s32 @!p2 $0x90, s29  }
0x51: {  	[tilespmem:s7], [sflag:$0x4] =	stream.indirect.gather @!p2 [spmem:s2], $0x80, s29, s4, $0xb8;
	[tilespmem:$0xFE00] =	vst v63  }
0x52: {  	s29 =	smov.u32 s16  }
0x53: {  	s29 =	simm.s32 @!p2 $0x30  }
.LBB2_5:
0x54: {  	_ =	swait.ge [sflag:s22], $0x1800;
	s4 =	sadd.s32 s5, s29  }
0x55: {  	[sflag:s22] =	ssyncset.done $0x0;
	s4 =	sshll.u32 s4, $0x4  }
0x56: {  	p2 =	seq.s32 s31, $0x1E600;
	[sflag:s22] =	ssyncadd.s32 $0xFFFFE800;
	s4 =	sadd.s32 s0, s4  }
0x57: {  	[hbm4b:s4+s3] =	stream.linear.scatter [tilespmem:s15], [sflag:$0x6], $0x1800, $0x38;
	[tilespmem:$0xFE00] =	vst v63  }
0x58: {  	s4 =	simm.s32 @p2 $0x3  }
0x59: {  	_ =	swait.ge @p2 [sflag:s4], $0x1800  }
0x5a: {  	[sflag:s4] =	ssyncset.done @p2 $0x0  }
0x5b: {  	s7 =	simm.s32 @p2 $0xAA80;
	[sflag:s4] =	ssyncadd.s32 @p2 $0xFFFFE800;
	s4 =	simm.s32 @p2 $0x0  }
0x5c: {  	[hbm4b:s10+s4] =	stream.linear.scatter @p2 [tilespmem:s7], [sflag:$0x7], $0x1800, $0x38;
	[tilespmem:$0xFE00] =	vst v63  }
0x5d: {  	s4 =	simm.s32 @!p2 $0x5  }
0x5e: {  	_ =	swait.ge @!p2 [sflag:s4], $0x1800  }
0x5f: {  	[sflag:s4] =	ssyncset.done @!p2 $0x0  }
0x60: {  	[sflag:s4] =	ssyncadd.s32 @!p2 $0xFFFFE800;
	s4 =	sshra.s32 @!p2 s31, $0x2  }
0x61: {  	s29 =	simm.s32 @!p2 $0x30;
	s8 =	simm.s32 @!p2 $0x7A80;
	s7 =	sadd.s32 @!p2 $0xC0, s4  }
0x62: {  	[tilespmem:s8], [sflag:$0x1] =	stream.indirect.gather @!p2 [spmem:s2], $0x80, s7, s29, $0xb8;
	[tilespmem:$0xFE00] =	vst v63  }
0x63: {  	s7 =	simm.s32 @!p2 $0x3  }
0x64: {  	_ =	swait.ge @!p2 [sflag:s7], $0x1800  }
0x65: {  	[sflag:s7] =	ssyncset.done @!p2 $0x0  }
0x66: {  	s8 =	simm.s32 @!p2 $0xAA80;
	[sflag:s7] =	ssyncadd.s32 @!p2 $0xFFFFE800;
	s7 =	simm.s32 @!p2 $0x0  }
0x67: {  	[hbm4b:s30+s7] =	stream.linear.scatter @!p2 [tilespmem:s8], [sflag:$0x7], $0x1800, $0x38;
	[tilespmem:$0xFE00] =	vst v63  }
0x68: {  	s7 =	simm.s32 @!p2 $0x6  }
0x69: {  	_ =	swait.ge @!p2 [sflag:s7], $0x1800  }
0x6a: {  	p3 =	sgt.u32 s28, $0x28A;
	[sflag:s7] =	ssyncset.done @!p2 $0x0  }
0x6b: {  	s4 =	sadd.s32 @!p2 $0xF0, s4;
	[sflag:s7] =	ssyncadd.s32 @!p2 $0xFFFFE800;
	s7 =	simm.s32 @!p2 $0x9280  }
0x6c: {  	[tilespmem:s7], [sflag:$0x2] =	stream.indirect.gather @!p2 [spmem:s2], $0x80, s4, s29, $0xb8;
	[tilespmem:$0xFE00] =	vst v63  }
.Ltmp4:
0x6d: {  	s4 =	simm.s32 @!p3 $0x4;
	(pc) =	sbr.rel @p2 .LBB2_7-.Ltmp4, $4  }
0x6e: {  	_ =	swait.ge @!p3 [sflag:s4], $0x1800  }
0x6f: {  	s8 =	simm.s32 @!p3 $0xC280;
	[sflag:s4] =	ssyncset.done @!p3 $0x0  }
0x70: {  	s7 =	simm.s32 @!p3 $0x0;
	[sflag:s4] =	ssyncadd.s32 @!p3 $0xFFFFE800;
	s4 =	sadd.s32 @!p3 $0x300, s30  }
0x71: {  	[hbm4b:s4+s7] =	stream.linear.scatter @!p3 [tilespmem:s8], [sflag:$0x8], $0x1800, $0x38;
	[tilespmem:$0xFE00] =	vst v63  }
.Ltmp5:
0x72: {  	(pc) =	sbr.rel .LBB2_2-.Ltmp5, $4  }
0x73: {  	_ =	swait.ge [sflag:s25], $0x1800;
	s1 =	sadd.s32 $0x120, s1  }
0x74: {  	s31 =	sadd.s32 $0x300, s31;
	s30 =	sadd.s32 $0xC00, s30;
	[sflag:s25] =	ssyncset.done $0x0  }
0x75: {  	s16 =	sadd.s32 $0xC0, s16;
	s28 =	sadd.s32 $0x4, s28;
	[sflag:s25] =	ssyncadd.s32 $0xFFFFE800  }
0x76: {  	[tilespmem:s17], [sflag:$0x3] =	stream.indirect.gather [spmem:s2], $0x80, s1, s20, $0xb8;
	[tilespmem:$0xFE00] =	vst v63  }
.LBB2_8:
0x77: {  	_ =	sfence.sel $0x180000  }
0x78: {  	[bflag:$0x0] =	sbarrier.arrive $0xFFFF  }
0x79: {  	_ =	strace $0x90000047  }
0x7a: {  	[bflag:$0x2] =	sbarrier.arrive $0xFFFF  }
0x7b: {  	s0 =	rddreg [dreg:$0x4]  }
0x7c: {  	s0 =	sadd.s32 @!p0 $0x100000, s0  }
0x7d: {  	[sflag:s0] =	ssyncadd.tile.s32 @!p0 $0x1;
	_ =	shalt  }
.Lfunc_end2:
_tile_overlayer_lowered:
.L_overlay_start_2:
0x7e: {  	(tag) =	ssettag $0x2  }
0x7f: {  	s0 =	rddreg [dreg:$0x0];
	s2 =	stileid.u32  }
0x80: {  	s1 =	rddreg [dreg:$0x1];
	p0 =	sne.s32 s2, $0x0  }
0x81: {  	s3 =	rddreg [dreg:$0x2];
	[bflag:$0x3] =	sbarrier.arrive $0xFFFF;
	s2 =	simm.s32 @!p0 $0x1C09  }
0x82: {  	[timem:s3], [sflag:s2] =	dma.local @!p0 [hbm:s0], s1  }
0x83: {  	s0 =	simm.s32 @!p0 $0x9  }
0x84: {  	_ =	swait.ge @!p0 [sflag:s0], s1  }
0x85: {  	s1 =	ssub.s32 @!p0 $0x0, s1;
	[sflag:s0] =	ssyncset.done @!p0 $0x0  }
0x86: {  	[sflag:s0] =	ssyncadd.s32 @!p0 s1  }
0x87: {  	[bflag:$0x3] =	sbarrier.arrive $0xFFFF  }
0x88: {  	_ =	shalt  }

</sc_bundles>
